<compile_context>
chip_gen: v7x
topology: tpu7x:2x2x1
jax: 0.10.2.dev20260603
libtpu: 0.0.44.dev20260713+nightly
codegen_flags: <defaults>
</compile_context>

<pallas_src>
import functools

import jax
import jax.numpy as jnp
from jax import lax
from jax.experimental import pallas as pl
from jax.experimental.pallas import tpu as pltpu, tpu_sc as plsc

N = 21
E = 168


def _sc_route_adj(adj):
    mesh = plsc.VectorSubcoreMesh(core_axis_name="c", subcore_axis_name="s")

    @functools.partial(
        pl.kernel, mesh=mesh,
        out_type=jax.ShapeDtypeStruct((2, E), jnp.int32),
        scratch_types=[pltpu.VMEM((2, E), jnp.int32)],
    )
    def k(adj_hbm, out_hbm, adj_v):
        wid = lax.axis_index("s") * 2 + lax.axis_index("c")

        @pl.when(wid == 0)
        def _():
            pltpu.sync_copy(adj_hbm, adj_v)
            pltpu.sync_copy(adj_v, out_hbm)

    return k(adj)


def _fused_body(x0_ref, adj_ref, w1_ref, b1_ref, w2_ref, b2_ref,
                fw1_ref, fb1_ref, fw2_ref, fb2_ref, fw3_ref, fb3_ref,
                out_ref):
    f32 = jnp.float32
    src = adj_ref[0:1, :]
    dst = adj_ref[1:2, :]
    node_iota = jax.lax.broadcasted_iota(jnp.int32, (N, E), 0)
    S = (src == node_iota).astype(f32)
    D = (dst == node_iota).astype(f32)
    C = jax.lax.dot_general(D, S, (((1,), (1,)), ((), ())),
                            preferred_element_type=f32)
    deg = jnp.sum(C, axis=1, keepdims=True) + 1.0
    dinv = jax.lax.rsqrt(deg)
    eye = (jax.lax.broadcasted_iota(jnp.int32, (N, N), 0)
           == jax.lax.broadcasted_iota(jnp.int32, (N, N), 1)).astype(f32)
    a_hat = C * dinv * dinv.reshape(1, N) + eye * (dinv * dinv)

    xw1 = jnp.dot(x0_ref[:], w1_ref[:], preferred_element_type=f32)
    x1 = jnp.dot(a_hat, xw1, preferred_element_type=f32) + b1_ref[:]
    xw2 = jnp.dot(x1, w2_ref[:], preferred_element_type=f32)
    x2 = jnp.dot(a_hat, xw2, preferred_element_type=f32) + b2_ref[:]

    flat = jnp.concatenate([x2[n:n + 1, :] for n in range(N)], axis=1)
    h1 = jnp.maximum(jnp.dot(flat, fw1_ref[:], preferred_element_type=f32)
                     + fb1_ref[:], 0.0)
    h2 = jnp.maximum(jnp.dot(h1, fw2_ref[:], preferred_element_type=f32)
                     + fb2_ref[:], 0.0)
    h3 = jnp.maximum(jnp.dot(h2, fw3_ref[:], preferred_element_type=f32)
                     + fb3_ref[:], 0.0)
    out_ref[:] = h3


def kernel(state, adj, W1, b1, W2, b2, fW1, fb1, fW2, fb2, fW3, fb3):
    x0 = state[0]
    adj = _sc_route_adj(adj)
    out = pl.pallas_call(
        _fused_body,
        out_shape=jax.ShapeDtypeStruct((1, 18), jnp.float32),
    )(x0, adj, W1, b1.reshape(1, N), W2, b2.reshape(1, N),
      fW1, fb1.reshape(1, 512), fW2, fb2.reshape(1, 512),
      fW3, fb3.reshape(1, 18))
    return out.reshape(18)

# --- scband reference (transcript-rebuilt; emitter-appended) ---
"""Pipeline reference for scband-graph-generic-network-19954418057369 (READ-ONLY COPY).

The authoritative reference and input builder live on the scoring server;
editing this copy changes nothing except your own understanding.
"""

import jax, jax.numpy as jnp
import numpy as np

B, NPG, FEAT, E = 16384, 21, 128, 168
N_ACTIONS = 18


def gcn_layer(x, src, dst, W, b):
    # x: [B, N, F_in]; GCNConv with symmetric normalization and self-loops
    N = x.shape[1]
    loop = jnp.arange(N, dtype=src.dtype)
    s = jnp.concatenate([src, loop])
    d = jnp.concatenate([dst, loop])
    deg = jnp.zeros((N,), x.dtype).at[d].add(1.0)
    dinv = jax.lax.rsqrt(jnp.clip(deg, 1.0, None))
    norm = dinv[s] * dinv[d]  # [E+N]
    xw = jnp.einsum('bnf,fo->bno', x, W)  # linear transform first (PyG GCNConv)
    msgs = xw[:, s, :] * norm[None, :, None]  # gather along node dim
    out = jnp.zeros((x.shape[0], N, W.shape[1]), x.dtype).at[:, d, :].add(msgs)  # scatter-add
    return out + b


def setup_inputs(seed: int = 0) -> dict:
    key = jax.random.key(seed)
    ks = jax.random.split(key, 16)
    state = jax.random.normal(ks[0], (B, NPG, FEAT), jnp.float32)
    adj = jax.random.randint(ks[1], (2, E), 0, NPG, dtype=jnp.int32)
    # gc1: node_feature -> 21, gc2: 21 -> 21
    W1 = jax.random.normal(ks[2], (FEAT, 21), jnp.float32) * (1.0 / np.sqrt(FEAT))
    b1 = jnp.zeros((21,), jnp.float32)
    W2 = jax.random.normal(ks[3], (21, 21), jnp.float32) * (1.0 / np.sqrt(21))
    b2 = jnp.zeros((21,), jnp.float32)
    # fc1: 441 -> 512, fc2: 512 -> 512, fc3: 512 -> n_actions
    fW1 = jax.random.normal(ks[4], (441, 512), jnp.float32) * (1.0 / np.sqrt(441))
    fb1 = jnp.zeros((512,), jnp.float32)
    fW2 = jax.random.normal(ks[5], (512, 512), jnp.float32) * (1.0 / np.sqrt(512))
    fb2 = jnp.zeros((512,), jnp.float32)
    fW3 = jax.random.normal(ks[6], (512, N_ACTIONS), jnp.float32) * (1.0 / np.sqrt(512))
    fb3 = jnp.zeros((N_ACTIONS,), jnp.float32)
    return {"state": state, "adj": adj, "W1": W1, "b1": b1, "W2": W2, "b2": b2,
            "fW1": fW1, "fb1": fb1, "fW2": fW2, "fb2": fb2, "fW3": fW3, "fb3": fb3}


def reference(state, adj, W1, b1, W2, b2, fW1, fb1, fW2, fb2, fW3, fb3):
    src, dst = adj[0], adj[1]
    x = gcn_layer(state, src, dst, W1, b1)
    x = gcn_layer(x, src, dst, W2, b2)
    x = x.reshape(x.shape[0], -1)[0]  # [441]
    x = jax.nn.relu(x @ fW1 + fb1)
    x = jax.nn.relu(x @ fW2 + fb2)
    x = jax.nn.relu(x @ fW3 + fb3)
    return x

if __name__ == "__main__":
    import jax
    _d = setup_inputs()
    print(jax.jit(kernel)(*tuple(_d.values())))

</pallas_src>

<mosaic_0001>
#map = affine_map<(d0, d1) -> (0, 0)>
module attributes {stable_mosaic.version = 14 : i64} {
  func.func @k(%arg0: i32, %arg1: i32, %arg2: memref<2x168xi32, #tpu.memory_space<hbm>>, %arg3: memref<2x168xi32, #tpu.memory_space<hbm>>, %arg4: memref<2x168xi32, #tpu.memory_space<vmem>>) attributes {dimension_semantics = [#tpu.dimension_semantics<core_parallel>, #tpu.dimension_semantics<subcore_parallel>], iteration_bounds = array<i64: 2, 16>, scalar_prefetch = 0 : i64, scratch_operands = 1 : i64, tpu.core_type = #tpu.core_type<sc_vector_subcore>, window_params = [{transform_indices = #map}, {transform_indices = #map}]} {
    %mul3A = arith.constant 2 : i32
    %mul3A_0 = arith.muli %arg1, %mul3A : i32
    %add3A = arith.addi %mul3A_0, %arg0 : i32
    %eq3A = arith.constant 0 : i32
    %eq3A_1 = arith.cmpi eq, %add3A, %eq3A : i32
    %convert_element_type3A = arith.extui %eq3A_1 : i1 to i32
    %cond3A = arith.constant 0 : i32
    %cond3A_2 = arith.cmpi ne, %convert_element_type3A, %cond3A : i32
    scf.if %cond3A_2 {
      "tpu.region"() ({
        %run_scoped3A = tpu.sem_alloc : memref<!tpu.dma_semaphore, #tpu.memory_space<semaphore_mem>>
        tpu.enqueue_dma source(%arg2 : memref<2x168xi32, #tpu.memory_space<hbm>>) target(%arg4 : memref<2x168xi32, #tpu.memory_space<vmem>>) target_semaphore(%run_scoped3A : memref<!tpu.dma_semaphore, #tpu.memory_space<semaphore_mem>>)
        tpu.wait_dma2 semaphore(%run_scoped3A : memref<!tpu.dma_semaphore, #tpu.memory_space<semaphore_mem>>) src(%arg2 : memref<2x168xi32, #tpu.memory_space<hbm>>) dst(%arg4 : memref<2x168xi32, #tpu.memory_space<vmem>>)
        tpu.yield
      }) : () -> ()
      "tpu.region"() ({
        %run_scoped3A = tpu.sem_alloc : memref<!tpu.dma_semaphore, #tpu.memory_space<semaphore_mem>>
        tpu.enqueue_dma source(%arg4 : memref<2x168xi32, #tpu.memory_space<vmem>>) target(%arg3 : memref<2x168xi32, #tpu.memory_space<hbm>>) target_semaphore(%run_scoped3A : memref<!tpu.dma_semaphore, #tpu.memory_space<semaphore_mem>>)
        tpu.wait_dma2 semaphore(%run_scoped3A : memref<!tpu.dma_semaphore, #tpu.memory_space<semaphore_mem>>) src(%arg4 : memref<2x168xi32, #tpu.memory_space<vmem>>) dst(%arg3 : memref<2x168xi32, #tpu.memory_space<hbm>>)
        tpu.yield
      }) : () -> ()
    } else {
    }
    return
  }
}

module attributes {stable_mosaic.version = 14 : i64} {
  func.func @_fused_body(%arg0: memref<21x128xf32, #tpu.memory_space<vmem>>, %arg1: memref<2x168xi32, #tpu.memory_space<vmem>>, %arg2: memref<128x21xf32, #tpu.memory_space<vmem>>, %arg3: memref<1x21xf32, #tpu.memory_space<vmem>>, %arg4: memref<21x21xf32, #tpu.memory_space<vmem>>, %arg5: memref<1x21xf32, #tpu.memory_space<vmem>>, %arg6: memref<441x512xf32, #tpu.memory_space<vmem>>, %arg7: memref<1x512xf32, #tpu.memory_space<vmem>>, %arg8: memref<512x512xf32, #tpu.memory_space<vmem>>, %arg9: memref<1x512xf32, #tpu.memory_space<vmem>>, %arg10: memref<512x18xf32, #tpu.memory_space<vmem>>, %arg11: memref<1x18xf32, #tpu.memory_space<vmem>>, %arg12: memref<1x18xf32, #tpu.memory_space<vmem>>) attributes {dimension_semantics = [], scalar_prefetch = 0 : i64, scratch_operands = 0 : i64, tpu.core_type = #tpu.core_type<tc>} {
    %get3A = arith.constant 0 : index
    %get3A_0 = arith.constant 0 : index
    %get3A_1 = vector.load %arg1[%get3A, %get3A_0] : memref<2x168xi32, #tpu.memory_space<vmem>>, vector<1x168xi32>
    %get3A_2 = arith.constant 1 : index
    %get3A_3 = arith.constant 0 : index
    %get3A_4 = vector.load %arg1[%get3A_2, %get3A_3] : memref<2x168xi32, #tpu.memory_space<vmem>>, vector<1x168xi32>
    %iota3A = tpu.iota {dimensions = array<i32: 0>} : vector<21x168xi32>
    %eq3A = vector.broadcast %get3A_1 : vector<1x168xi32> to vector<21x168xi32>
    %eq3A_5 = arith.cmpi eq, %eq3A, %iota3A : vector<21x168xi32>
    %convert_element_type3A = arith.extui %eq3A_5 : vector<21x168xi1> to vector<21x168xi32>
    %convert_element_type3A_6 = arith.sitofp %convert_element_type3A : vector<21x168xi32> to vector<21x168xf32>
    %eq3A_7 = vector.broadcast %get3A_4 : vector<1x168xi32> to vector<21x168xi32>
    %eq3A_8 = arith.cmpi eq, %eq3A_7, %iota3A : vector<21x168xi32>
    %convert_element_type3A_9 = arith.extui %eq3A_8 : vector<21x168xi1> to vector<21x168xi32>
    %convert_element_type3A_10 = arith.sitofp %convert_element_type3A_9 : vector<21x168xi32> to vector<21x168xf32>
    %dot_general3A = arith.constant dense<0.000000e+00> : vector<21x21xf32>
    %dot_general3A_11 = tpu.matmul %convert_element_type3A_10, %convert_element_type3A_6, %dot_general3A {dimension_numbers = #tpu.dot_dimension_numbers<[1], [1], [0], [0], [0, 0, 1, 0], [], []>, transpose_lhs_hint = false} : vector<21x168xf32>, vector<21x168xf32>, vector<21x21xf32> -> vector<21x21xf32>
    %reduce_sum3A = arith.constant dense<0.000000e+00> : vector<21xf32>
    %reduce_sum3A_12 = vector.multi_reduction <add>, %dot_general3A_11, %reduce_sum3A [1] : vector<21x21xf32> to vector<21xf32>
    %broadcast_in_dim3A = vector.shape_cast %reduce_sum3A_12 : vector<21xf32> to vector<21x1xf32>
    %add3A = arith.constant 1.000000e+00 : f32
    %add3A_13 = vector.broadcast %add3A : f32 to vector<21x1xf32>
    %add3A_14 = arith.addf %broadcast_in_dim3A, %add3A_13 : vector<21x1xf32>
    %rsqrt3A = math.rsqrt %add3A_14 : vector<21x1xf32>
    %iota3A_15 = tpu.iota {dimensions = array<i32: 0>} : vector<21x21xi32>
    %iota3A_16 = tpu.iota {dimensions = array<i32: 1>} : vector<21x21xi32>
    %eq3A_17 = arith.cmpi eq, %iota3A_15, %iota3A_16 : vector<21x21xi32>
    %convert_element_type3A_18 = arith.extui %eq3A_17 : vector<21x21xi1> to vector<21x21xi32>
    %convert_element_type3A_19 = arith.sitofp %convert_element_type3A_18 : vector<21x21xi32> to vector<21x21xf32>
    %mul3A = vector.broadcast %rsqrt3A : vector<21x1xf32> to vector<21x21xf32>
    %mul3A_20 = arith.mulf %dot_general3A_11, %mul3A : vector<21x21xf32>
    %reshape3A = vector.shape_cast %rsqrt3A : vector<21x1xf32> to vector<1x21xf32>
    %mul3A_21 = vector.broadcast %reshape3A : vector<1x21xf32> to vector<21x21xf32>
    %mul3A_22 = arith.mulf %mul3A_20, %mul3A_21 : vector<21x21xf32>
    %mul3A_23 = arith.mulf %rsqrt3A, %rsqrt3A : vector<21x1xf32>
    %mul3A_24 = vector.broadcast %mul3A_23 : vector<21x1xf32> to vector<21x21xf32>
    %mul3A_25 = arith.mulf %convert_element_type3A_19, %mul3A_24 : vector<21x21xf32>
    %add3A_26 = arith.addf %mul3A_22, %mul3A_25 : vector<21x21xf32>
    %get3A_27 = arith.constant 0 : index
    %get3A_28 = arith.constant 0 : index
    %get3A_29 = vector.load %arg0[%get3A_27, %get3A_28] : memref<21x128xf32, #tpu.memory_space<vmem>>, vector<21x128xf32>
    %get3A_30 = arith.constant 0 : index
    %get3A_31 = arith.constant 0 : index
    %get3A_32 = vector.load %arg2[%get3A_30, %get3A_31] : memref<128x21xf32, #tpu.memory_space<vmem>>, vector<128x21xf32>
    %dot_general3A_33 = arith.constant dense<0.000000e+00> : vector<21x21xf32>
    %dot_general3A_34 = tpu.matmul %get3A_29, %get3A_32, %dot_general3A_33 {dimension_numbers = #tpu.dot_dimension_numbers<[1], [0], [0], [1], [0, 0, 1, 1], [], []>, transpose_lhs_hint = false} : vector<21x128xf32>, vector<128x21xf32>, vector<21x21xf32> -> vector<21x21xf32>
    %dot_general3A_35 = arith.constant dense<0.000000e+00> : vector<21x21xf32>
    %dot_general3A_36 = tpu.matmul %add3A_26, %dot_general3A_34, %dot_general3A_35 {dimension_numbers = #tpu.dot_dimension_numbers<[1], [0], [0], [1], [0, 0, 1, 1], [], []>, transpose_lhs_hint = false} : vector<21x21xf32>, vector<21x21xf32>, vector<21x21xf32> -> vector<21x21xf32>
    %get3A_37 = arith.constant 0 : index
    %get3A_38 = arith.constant 0 : index
    %get3A_39 = vector.load %arg3[%get3A_37, %get3A_38] : memref<1x21xf32, #tpu.memory_space<vmem>>, vector<1x21xf32>
    %add3A_40 = vector.broadcast %get3A_39 : vector<1x21xf32> to vector<21x21xf32>
    %add3A_41 = arith.addf %dot_general3A_36, %add3A_40 : vector<21x21xf32>
    %get3A_42 = arith.constant 0 : index
    %get3A_43 = arith.constant 0 : index
    %get3A_44 = vector.load %arg4[%get3A_42, %get3A_43] : memref<21x21xf32, #tpu.memory_space<vmem>>, vector<21x21xf32>
    %dot_general3A_45 = arith.constant dense<0.000000e+00> : vector<21x21xf32>
    %dot_general3A_46 = tpu.matmul %add3A_41, %get3A_44, %dot_general3A_45 {dimension_numbers = #tpu.dot_dimension_numbers<[1], [0], [0], [1], [0, 0, 1, 1], [], []>, transpose_lhs_hint = false} : vector<21x21xf32>, vector<21x21xf32>, vector<21x21xf32> -> vector<21x21xf32>
    %dot_general3A_47 = arith.constant dense<0.000000e+00> : vector<21x21xf32>
    %dot_general3A_48 = tpu.matmul %add3A_26, %dot_general3A_46, %dot_general3A_47 {dimension_numbers = #tpu.dot_dimension_numbers<[1], [0], [0], [1], [0, 0, 1, 1], [], []>, transpose_lhs_hint = false} : vector<21x21xf32>, vector<21x21xf32>, vector<21x21xf32> -> vector<21x21xf32>
    %get3A_49 = arith.constant 0 : index
    %get3A_50 = arith.constant 0 : index
    %get3A_51 = vector.load %arg5[%get3A_49, %get3A_50] : memref<1x21xf32, #tpu.memory_space<vmem>>, vector<1x21xf32>
    %add3A_52 = vector.broadcast %get3A_51 : vector<1x21xf32> to vector<21x21xf32>
    %add3A_53 = arith.addf %dot_general3A_48, %add3A_52 : vector<21x21xf32>
    %slice3A = vector.extract_strided_slice %add3A_53 {offsets = [0, 0], sizes = [1, 21], strides = [1, 1]} : vector<21x21xf32> to vector<1x21xf32>
    %slice3A_54 = vector.extract_strided_slice %add3A_53 {offsets = [1, 0], sizes = [1, 21], strides = [1, 1]} : vector<21x21xf32> to vector<1x21xf32>
    %slice3A_55 = vector.extract_strided_slice %add3A_53 {offsets = [2, 0], sizes = [1, 21], strides = [1, 1]} : vector<21x21xf32> to vector<1x21xf32>
    %slice3A_56 = vector.extract_strided_slice %add3A_53 {offsets = [3, 0], sizes = [1, 21], strides = [1, 1]} : vector<21x21xf32> to vector<1x21xf32>
    %slice3A_57 = vector.extract_strided_slice %add3A_53 {offsets = [4, 0], sizes = [1, 21], strides = [1, 1]} : vector<21x21xf32> to vector<1x21xf32>
    %slice3A_58 = vector.extract_strided_slice %add3A_53 {offsets = [5, 0], sizes = [1, 21], strides = [1, 1]} : vector<21x21xf32> to vector<1x21xf32>
    %slice3A_59 = vector.extract_strided_slice %add3A_53 {offsets = [6, 0], sizes = [1, 21], strides = [1, 1]} : vector<21x21xf32> to vector<1x21xf32>
    %slice3A_60 = vector.extract_strided_slice %add3A_53 {offsets = [7, 0], sizes = [1, 21], strides = [1, 1]} : vector<21x21xf32> to vector<1x21xf32>
    %slice3A_61 = vector.extract_strided_slice %add3A_53 {offsets = [8, 0], sizes = [1, 21], strides = [1, 1]} : vector<21x21xf32> to vector<1x21xf32>
    %slice3A_62 = vector.extract_strided_slice %add3A_53 {offsets = [9, 0], sizes = [1, 21], strides = [1, 1]} : vector<21x21xf32> to vector<1x21xf32>
    %slice3A_63 = vector.extract_strided_slice %add3A_53 {offsets = [10, 0], sizes = [1, 21], strides = [1, 1]} : vector<21x21xf32> to vector<1x21xf32>
    %slice3A_64 = vector.extract_strided_slice %add3A_53 {offsets = [11, 0], sizes = [1, 21], strides = [1, 1]} : vector<21x21xf32> to vector<1x21xf32>
    %slice3A_65 = vector.extract_strided_slice %add3A_53 {offsets = [12, 0], sizes = [1, 21], strides = [1, 1]} : vector<21x21xf32> to vector<1x21xf32>
    %slice3A_66 = vector.extract_strided_slice %add3A_53 {offsets = [13, 0], sizes = [1, 21], strides = [1, 1]} : vector<21x21xf32> to vector<1x21xf32>
    %slice3A_67 = vector.extract_strided_slice %add3A_53 {offsets = [14, 0], sizes = [1, 21], strides = [1, 1]} : vector<21x21xf32> to vector<1x21xf32>
    %slice3A_68 = vector.extract_strided_slice %add3A_53 {offsets = [15, 0], sizes = [1, 21], strides = [1, 1]} : vector<21x21xf32> to vector<1x21xf32>
    %slice3A_69 = vector.extract_strided_slice %add3A_53 {offsets = [16, 0], sizes = [1, 21], strides = [1, 1]} : vector<21x21xf32> to vector<1x21xf32>
    %slice3A_70 = vector.extract_strided_slice %add3A_53 {offsets = [17, 0], sizes = [1, 21], strides = [1, 1]} : vector<21x21xf32> to vector<1x21xf32>
    %slice3A_71 = vector.extract_strided_slice %add3A_53 {offsets = [18, 0], sizes = [1, 21], strides = [1, 1]} : vector<21x21xf32> to vector<1x21xf32>
    %slice3A_72 = vector.extract_strided_slice %add3A_53 {offsets = [19, 0], sizes = [1, 21], strides = [1, 1]} : vector<21x21xf32> to vector<1x21xf32>
    %slice3A_73 = vector.extract_strided_slice %add3A_53 {offsets = [20, 0], sizes = [1, 21], strides = [1, 1]} : vector<21x21xf32> to vector<1x21xf32>
    %concatenate3A = tpu.concatenate %slice3A, %slice3A_54, %slice3A_55, %slice3A_56, %slice3A_57, %slice3A_58, %slice3A_59, %slice3A_60, %slice3A_61, %slice3A_62, %slice3A_63, %slice3A_64, %slice3A_65, %slice3A_66, %slice3A_67, %slice3A_68, %slice3A_69, %slice3A_70, %slice3A_71, %slice3A_72, %slice3A_73 in 1 : vector<1x21xf32>, vector<1x21xf32>, vector<1x21xf32>, vector<1x21xf32>, vector<1x21xf32>, vector<1x21xf32>, vector<1x21xf32>, vector<1x21xf32>, vector<1x21xf32>, vector<1x21xf32>, vector<1x21xf32>, vector<1x21xf32>, vector<1x21xf32>, vector<1x21xf32>, vector<1x21xf32>, vector<1x21xf32>, vector<1x21xf32>, vector<1x21xf32>, vector<1x21xf32>, vector<1x21xf32>, vector<1x21xf32> -> vector<1x441xf32>
    %get3A_74 = arith.constant 0 : index
    %get3A_75 = arith.constant 0 : index
    %get3A_76 = vector.load %arg6[%get3A_74, %get3A_75] : memref<441x512xf32, #tpu.memory_space<vmem>>, vector<441x512xf32>
    %dot_general3A_77 = arith.constant dense<0.000000e+00> : vector<1x512xf32>
    %dot_general3A_78 = tpu.matmul %concatenate3A, %get3A_76, %dot_general3A_77 {dimension_numbers = #tpu.dot_dimension_numbers<[1], [0], [0], [1], [0, 0, 1, 1], [], []>, transpose_lhs_hint = false} : vector<1x441xf32>, vector<441x512xf32>, vector<1x512xf32> -> vector<1x512xf32>
    %get3A_79 = arith.constant 0 : index
    %get3A_80 = arith.constant 0 : index
    %get3A_81 = vector.load %arg7[%get3A_79, %get3A_80] : memref<1x512xf32, #tpu.memory_space<vmem>>, vector<1x512xf32>
    %add3A_82 = arith.addf %dot_general3A_78, %get3A_81 : vector<1x512xf32>
    %max3A = arith.constant 0.000000e+00 : f32
    %max3A_83 = vector.broadcast %max3A : f32 to vector<1x512xf32>
    %max3A_84 = arith.maximumf %add3A_82, %max3A_83 : vector<1x512xf32>
    %get3A_85 = arith.constant 0 : index
    %get3A_86 = arith.constant 0 : index
    %get3A_87 = vector.load %arg8[%get3A_85, %get3A_86] : memref<512x512xf32, #tpu.memory_space<vmem>>, vector<512x512xf32>
    %dot_general3A_88 = arith.constant dense<0.000000e+00> : vector<1x512xf32>
    %dot_general3A_89 = tpu.matmul %max3A_84, %get3A_87, %dot_general3A_88 {dimension_numbers = #tpu.dot_dimension_numbers<[1], [0], [0], [1], [0, 0, 1, 1], [], []>, transpose_lhs_hint = false} : vector<1x512xf32>, vector<512x512xf32>, vector<1x512xf32> -> vector<1x512xf32>
    %get3A_90 = arith.constant 0 : index
    %get3A_91 = arith.constant 0 : index
    %get3A_92 = vector.load %arg9[%get3A_90, %get3A_91] : memref<1x512xf32, #tpu.memory_space<vmem>>, vector<1x512xf32>
    %add3A_93 = arith.addf %dot_general3A_89, %get3A_92 : vector<1x512xf32>
    %max3A_94 = arith.constant 0.000000e+00 : f32
    %max3A_95 = vector.broadcast %max3A_94 : f32 to vector<1x512xf32>
    %max3A_96 = arith.maximumf %add3A_93, %max3A_95 : vector<1x512xf32>
    %get3A_97 = arith.constant 0 : index
    %get3A_98 = arith.constant 0 : index
    %get3A_99 = vector.load %arg10[%get3A_97, %get3A_98] : memref<512x18xf32, #tpu.memory_space<vmem>>, vector<512x18xf32>
    %dot_general3A_100 = arith.constant dense<0.000000e+00> : vector<1x18xf32>
    %dot_general3A_101 = tpu.matmul %max3A_96, %get3A_99, %dot_general3A_100 {dimension_numbers = #tpu.dot_dimension_numbers<[1], [0], [0], [1], [0, 0, 1, 1], [], []>, transpose_lhs_hint = false} : vector<1x512xf32>, vector<512x18xf32>, vector<1x18xf32> -> vector<1x18xf32>
    %get3A_102 = arith.constant 0 : index
    %get3A_103 = arith.constant 0 : index
    %get3A_104 = vector.load %arg11[%get3A_102, %get3A_103] : memref<1x18xf32, #tpu.memory_space<vmem>>, vector<1x18xf32>
    %add3A_105 = arith.addf %dot_general3A_101, %get3A_104 : vector<1x18xf32>
    %max3A_106 = arith.constant 0.000000e+00 : f32
    %max3A_107 = vector.broadcast %max3A_106 : f32 to vector<1x18xf32>
    %max3A_108 = arith.maximumf %add3A_105, %max3A_107 : vector<1x18xf32>
    %swap3A = arith.constant 0 : index
    %swap3A_109 = arith.constant 0 : index
    %swap3A_110 = vector.load %arg12[%swap3A, %swap3A_109] : memref<1x18xf32, #tpu.memory_space<vmem>>, vector<1x18xf32>
    tpu.vector_store %arg12[%swap3A, %swap3A_109], %max3A_108 {strides = array<i32>} : memref<1x18xf32, #tpu.memory_space<vmem>>, vector<1x18xf32>,
    return
  }
}

</mosaic_0001>

<sc_bundles>
// kernel: kernel.4.cloned.1.call-start
scs
__scs_entry_jumppad:
0x0: {  	(pc) =	sbr.rel $0x88, $3  }
0x1: {  	(tag) =	ssettag $0x0;
	lr =	simm.s32 $0x1  }
0x2: {  	[smem:$0x3F95] =	sst lr;
	_ =	strace $0xD0000000  }
0x3: {  	_ = 	snop  }
0x4: {  	_ = 	snop  }
0x5: {  	_ = 	snop  }
0x6: {  	_ = 	snop  }
0x7: {  	_ = 	snop  }
__scs_overlays_trampoline_lowered:
0x8: {  	[smem:$0x3FA4] =	sst s0  }
0x9: {  	[smem:$0x3FA5] =	sst s1  }
0xa: {  	[smem:$0x3FA6] =	sst s2  }
0xb: {  	[smem:$0x3FA7] =	sst s3  }
0xc: {  	[smem:$0x3FA8] =	sst s4  }
0xd: {  	[smem:$0x3FA9] =	sst s5  }
0xe: {  	[smem:$0x3FAA] =	sst s6  }
0xf: {  	[smem:$0x3FAB] =	sst s7  }
0x10: {  	[smem:$0x3FAC] =	sst s8  }
0x11: {  	[smem:$0x3FAD] =	sst s9;
	s0 =	simm.s32 @!p0 $0x0  }
0x12: {  	s1 =	sld [smem:$0x3F93];
	s0 =	simm.s32 @p0 $0x1  }
0x13: {  	[smem:$0x3FAE] =	sst s0;
	s0 =	simm.s32 @!p1 $0x0  }
0x14: {  	s2 =	sld [smem:$0x3F92];
	s0 =	simm.s32 @p1 $0x1  }
0x15: {  	[smem:$0x3FAF] =	sst s0;
	s0 =	simm.s32 @!p2 $0x0  }
0x16: {  	s3 =	sld [smem:$0x3FDB];
	s0 =	simm.s32 @p2 $0x1  }
0x17: {  	s4 =	simm.s32 $0x1BF5;
	[smem:$0x3FB1] =	sst s0  }
0x18: {  	s0 =	sld [smem:$0x3F94];
	_ =	swait.ge [sflag:s4], $0x0  }
0x19: {  	s7 =	sld [smem:$0x3F95]  }
0x1a: {  	s8 =	sadd.s32 $0xFFFFE003, lr  }
0x1b: {  	s9 =	sadd.s32 $0xFFFFFEF7, lr;
	s5 =	simm.s32 $0xFFFFFFFF;
	p2 =	slt.u32 s8, $0xFFFFF086  }
0x1c: {  	p1 =	slt.u32 s9, $0xF7A;
	s5 =	simm.s32 @!p2 $0x0  }
0x1d: {  	s5 =	simm.s32 @p1 $0x1;
	p0 =	seq.s32 s7, s2  }
0x1e: {  	s7 =	smul.u32 @!p0 $0xF7A, s2;
	p2 =	seq.s32 @!p0 s5, $0x0  }
0x1f: {  	s9 =	smul.u32 $0xF7A, s1;
	s8 =	simm.s32 @!p0 $0x1BF5;
	p2 =	por !p2, p0  }
0x20: {  	[sflag:s8] =	ssyncset.s32 @!p0 $0xFFFFF086;
	s6 =	sadd.s32 @!p0 s3, s7;
	s7 =	simm.s32 @!p0 $0x108  }
0x21: {  	s3 =	sadd.s32 s3, s9;
	s6 =	sadd.s32 @!p0 $0x88, s6;
	s7 =	simm.s32 @p2 $0x1082  }
0x22: {  	[simem:s7], [sflag:s8] =	dma.local @!p0 [hbm:s6], $0xF7A  }
0x23: {  	s9 =	sor.u32 $0xD0000000, s2;
	s6 =	simm.s32 $0x108;
	_ =	swait.ge @!p0 [sflag:s8], $0x0  }
0x24: {  	s3 =	sadd.s32 $0x88, s3;
	s6 =	simm.s32 @!p1 $0x1082;
	[sflag:s4] =	ssyncset.s32 $0xFFFFF086  }
0x25: {  	[simem:s6], [sflag:s4] =	dma.local [hbm:s3], $0xF7A  }
0x26: {  	[smem:$0x3F95] =	sst s1;
	(tag) =	ssettag s2;
	_ =	strace s9  }
0x27: {  	s1 =	sld [smem:$0x3FA5]  }
0x28: {  	s2 =	sld [smem:$0x3FA6]  }
0x29: {  	s4 =	sld [smem:$0x3FA8]  }
0x2a: {  	p0 =	seq.s32 s5, $0x0;
	s5 =	sld [smem:$0x3FA9]  }
0x2b: {  	s6 =	sld [smem:$0x3FAA]  }
0x2c: {  	s7 =	sld [smem:$0x3FAB]  }
0x2d: {  	s3 =	simm.s32 $0x108;
	s8 =	sld [smem:$0x3FAC]  }
0x2e: {  	s3 =	simm.s32 @!p0 $0x1082;
	s9 =	sld [smem:$0x3FAD]  }
0x2f: {  	lr =	sadd.s32 s0, s3;
	s0 =	sld [smem:$0x3FA4]  }
0x30: {  	s3 =	sld [smem:$0x3FA7]  }
0x31: {  	[smem:$0x3FB0] =	sst s10  }
0x32: {  	s10 =	sld [smem:$0x3FAE];
	_ =	sdelay $0x3  }
0x33: {  	p0 =	seq.s32 s10, $0x1;
	s10 =	sld [smem:$0x3FB0];
	_ =	sdelay $0x3  }
0x34: {  	[smem:$0x3FB0] =	sst s10  }
0x35: {  	s10 =	sld [smem:$0x3FAF];
	_ =	sdelay $0x3  }
0x36: {  	p1 =	seq.s32 s10, $0x1;
	s10 =	sld [smem:$0x3FB0];
	_ =	sdelay $0x3  }
0x37: {  	[smem:$0x3FB0] =	sst s10  }
0x38: {  	s10 =	sld [smem:$0x3FB1]  }
0x39: {  	_ = 	snop;
	(pc) =	sbr.ind lr, $3  }
0x3a: {  	_ = 	snop  }
0x3b: {  	_ = 	snop  }
0x3c: {  	p2 =	seq.s32 s10, $0x1;
	s10 =	sld [smem:$0x3FB0]  }
0x3d: {  	_ =	shalt  }
0x3e: {  	_ =	shalt  }
0x3f: {  	_ =	shalt  }
0x40: {  	_ =	shalt  }
0x41: {  	_ =	shalt  }
0x42: {  	_ =	shalt  }
0x43: {  	_ =	shalt  }
0x44: {  	_ =	shalt  }
0x45: {  	_ =	shalt  }
0x46: {  	_ =	shalt  }
0x47: {  	_ =	shalt  }
0x48: {  	_ =	shalt  }
0x49: {  	_ =	shalt  }
0x4a: {  	_ =	shalt  }
0x4b: {  	_ =	shalt  }
0x4c: {  	_ =	shalt  }
0x4d: {  	_ =	shalt  }
0x4e: {  	_ =	shalt  }
0x4f: {  	_ =	shalt  }
0x50: {  	_ =	shalt  }
0x51: {  	_ =	shalt  }
0x52: {  	_ =	shalt  }
0x53: {  	_ =	shalt  }
0x54: {  	_ =	shalt  }
0x55: {  	_ =	shalt  }
0x56: {  	_ =	shalt  }
0x57: {  	_ =	shalt  }
0x58: {  	_ =	shalt  }
0x59: {  	_ =	shalt  }
0x5a: {  	_ =	shalt  }
0x5b: {  	_ =	shalt  }
0x5c: {  	_ =	shalt  }
0x5d: {  	_ =	shalt  }
0x5e: {  	_ =	shalt  }
0x5f: {  	_ =	shalt  }
0x60: {  	_ =	shalt  }
0x61: {  	_ =	shalt  }
0x62: {  	_ =	shalt  }
0x63: {  	_ =	shalt  }
0x64: {  	_ =	shalt  }
0x65: {  	_ =	shalt  }
0x66: {  	_ =	shalt  }
0x67: {  	_ =	shalt  }
0x68: {  	_ =	shalt  }
0x69: {  	_ =	shalt  }
0x6a: {  	_ =	shalt  }
0x6b: {  	_ =	shalt  }
0x6c: {  	_ =	shalt  }
0x6d: {  	_ =	shalt  }
0x6e: {  	_ =	shalt  }
0x6f: {  	_ =	shalt  }
0x70: {  	_ =	shalt  }
0x71: {  	_ =	shalt  }
0x72: {  	_ =	shalt  }
0x73: {  	_ =	shalt  }
0x74: {  	_ =	shalt  }
0x75: {  	_ =	shalt  }
0x76: {  	_ =	shalt  }
0x77: {  	_ =	shalt  }
0x78: {  	_ =	shalt  }
0x79: {  	_ =	shalt  }
0x7a: {  	_ =	shalt  }
0x7b: {  	_ =	shalt  }
0x7c: {  	_ =	shalt  }
0x7d: {  	_ =	shalt  }
0x7e: {  	_ =	shalt  }
0x7f: {  	_ =	shalt  }
0x80: {  	_ =	shalt  }
0x81: {  	_ =	shalt  }
0x82: {  	_ =	shalt  }
0x83: {  	_ =	shalt  }
0x84: {  	_ =	shalt  }
0x85: {  	_ =	shalt  }
0x86: {  	_ =	shalt  }
0x87: {  	_ =	shalt  }
.Lfunc_end0:
.L_simem_size_0:
called_computation_lowered:
.L_overlay_start_0:
0x88: {  	s2 =	sld [smem:$0x3FD9]  }
0x89: {  	s3 =	sld [smem:$0x3FFE];
	_ =	sdelay $0x1  }
0x8a: {  	s1 =	srdreg.scid  }
0x8b: {  	s0 =	sand.u32 $0x1, s1  }
0x8c: {  	s17 =	sshll.u32 s0, $0xA;
	s2 =	sadd.s32 s3, s2  }
0x8d: {  	s2 =	sadd.s32 s2, s17  }
0x8e: {  	[smem:$0x3FBC] =	sst s2  }
0x8f: {  	_ = 	snop  }
0x90: {  	s2 =	sld [smem:$0x3FC8];
	(tm) =	ssettm $0x1  }
0x91: {  	s18 =	sld [smem:$0x3FFB];
	_ =	sdelay $0x3  }
0x92: {  	_ =	strace s18  }
0x93: {  	s3 =	sld [smem:$0x3FFC];
	_ =	sdelay $0x3  }
0x94: {  	_ =	strace s3  }
0x95: {  	s3 =	sld [smem:$0x3FFD];
	_ =	sdelay $0x3  }
0x96: {  	_ =	strace s3  }
0x97: {  	_ =	strace $0x8FFFFFFF  }
0x98: {  	s19 =	sld [smem:$0x3FDB];
	_ =	sdelay $0x1  }
0x99: {  	s4 =	simm.s32 $_scs_section_size  }
0x9a: {  	s5 =	simm.s32 $_size__tile_overlayer_lowered;
	s6 =	simm.s32 $_tile_overlayer_lowered  }
0x9b: {  	s22 =	simm.s32 $0x1BFF;
	s21 =	sshll.u32 s6, $0x1;
	s3 =	sadd.s32 s4, s19  }
0x9c: {  	s7 =	simm.s32 $0x0;
	s20 =	sshll.u32 s5, $0x1;
	s5 =	sadd.s32 s21, s3  }
0x9d: {  	[timem:s7], [sflag:s22] =	dma.local [hbm:s5], s20  }
0x9e: {  	_ =	swait.ge [sflag:s22], s20  }
0x9f: {  	s4 =	ssub.s32 $0x0, s20;
	[sflag:s22] =	ssyncset.done $0x0  }
0xa0: {  	[sflag:s22] =	ssyncadd.s32 s4;
	_ =	sdelay $0x1  }
0xa1: {  	s23 =	simm.s32 $0x1B8B  }
0xa2: {  	_ =	swait.ge [sflag:s23], $0x1  }
0xa3: {  	[sflag:s23] =	ssyncset.done $0x0  }
0xa4: {  	s25 =	simm.s32 $0x1B8E;
	s24 =	sld [smem:$0x3FFE];
	[sflag:s23] =	ssyncadd.s32 $0xFFFFFFFF  }
0xa5: {  	s26 =	simm.s32 $execute0_lowered;
	[smem:$0x3FD2] =	sst s25  }
0xa6: {  	s5 =	sshll.u32 s26, $0x1;
	_ =	strace $0x80000046;
	[dreg:$0x1] =	wrdreg $0xFFFFFFFF  }
0xa7: {  	s28 =	simm.s32 $_size_execute0_lowered;
	s3 =	sadd.s32 s3, s5;
	[dreg:$0x0] =	wrdreg $0x0  }
0xa8: {  	s5 =	sshll.u32 s28, $0x1;
	[dreg:$0x2] =	wrdreg s3  }
0xa9: {  	[dreg:$0x3] =	wrdreg s5  }
0xaa: {  	[dreg:$0x4] =	wrdreg $0xC0  }
0xab: {  	_ =	task [dreg:s7], $0x5FFFF  }
0xac: {  	[dreg:$0x1] =	wrdreg $0xFFFFFFFF  }
0xad: {  	[dreg:$0x0] =	wrdreg $0x60  }
0xae: {  	[dreg:$0x2] =	wrdreg s2  }
0xaf: {  	[dreg:$0x3] =	wrdreg s24  }
0xb0: {  	[dreg:$0x4] =	wrdreg $0x9  }
0xb1: {  	_ =	task.clear_ibuf [dreg:s7], $0x5FFFF;
	_ =	strace $0x90000046  }
0xb2: {  	s29 =	simm.s32 $0x9;
	_ =	strace $0x80000048  }
0xb3: {  	_ =	swait.ge [sflag:s29], $0x1  }
0xb4: {  	[sflag:s29] =	ssyncadd.s32 $0xFFFFFFFF  }
0xb5: {  	_ =	strace $0x90000048  }
0xb6: {  	_ =	sfence  }
0xb7: {  	s30 =	sld [smem:$0x0];
	_ =	sdelay $0x2  }
0xb8: {  	s31 =	sshll.u32 s1, $0xD;
	s1 =	sshrl.u32 s1, $0x2  }
0xb9: {  	s3 =	sand.u32 $0x4000, s31;
	s1 =	sadd.s32 s1, s30  }
0xba: {  	s0 =	sor.u32 s3, s0;
	s1 =	sshll.u32 s1, $0x11  }
0xbb: {  	s0 =	sor.u32 s1, s0  }
0xbc: {  	s0 =	sadd.s32 $0x8F2B, s0  }
0xbd: {  	[sflag:s0] =	ssyncadd.remote.s32 $0x1  }
0xbe: {  	_ =	sfence.sel $0xFFFF  }
0xbf: {  	[dreg:$0x0] =	wrdreg $0xFFFFFFFF;
	(pc) =	sbr.abs _section_cstart, $3  }
0xc0: {  	[dreg:$0x1] =	wrdreg $0xFFFFFFFF  }
0xc1: {  	_ =	task.clear_ibuf [dreg:s7], $0x2FFFF;
	_ =	strace $0x9FFFFFFF  }
0xc2: {  	(tm) =	ssettm $0x7FFFFFFF  }
0xc3: {  	_ =	shalt  }
tec
execute0_lowered:
.L_overlay_start_1:
0x0: {  	(tag) =	ssettag $0x1  }
0x1: {  	s0 =	srdreg.scid  }
0x2: {  	s3 =	sand.u32 $0x1, s0;
	s0 =	stileid.u32  }
0x3: {  	s4 =	sshll.u32 s0, $0x1;
	s6 =	ssub.s32 $0x0, s3  }
0x4: {  	p0 =	sne.s32 s4, s6  }
.Ltmp0:
0x5: {  	_ = 	snop;
	(pc) =	sbr.rel @p0 .LBB2_4-.Ltmp0, $4  }
0x6: {  	_ = 	snop  }
0x7: {  	s2 =	rddreg [dreg:$0x0]  }
0x8: {  	s5 =	rddreg [dreg:$0x1]  }
0x9: {  	s1 =	rddreg [dreg:$0x2];
	_ =	strace $0x80000047  }
0xa: {  	s6 =	ssub.s32 $0x2, s3;
	s4 =	simm.s32 $0x0  }
0xb: {  	[tilespmem:s4], [sflag:$0x1] =	stream.linear.gather [hbm4b:s2+s4], $0x200, $0x38;
	[tilespmem:$0x200] =	vst v63  }
0xc: {  	s7 =	sshrl.u32 s6, $0x1  }
0xd: {  	s6 =	ssub.s32 s6, s7  }
0xe: {  	s3 =	simm.s32 $0x1;
	s6 =	smax.u32 s6, $0x1  }
0xf: {  	_ =	swait.ge [sflag:s3], $0x200;
	p0 =	sne.s32 s6, $0x1  }
.Ltmp1:
0x10: {  	[sflag:s3] =	ssyncset.done $0x0;
	(pc) =	sbr.rel @!p0 .LBB2_3-.Ltmp1, $4  }
0x11: {  	s5 =	sadd.s32 $0x1600, s5;
	[sflag:s3] =	ssyncadd.s32 $0xFFFFFE00  }
0x12: {  	[hbm4b:s5+s4] =	stream.linear.scatter [tilespmem:s4], [sflag:$0x1], $0x200, $0x38;
	[tilespmem:$0x200] =	vst v63  }
0x13: {  	_ =	swait.ge [sflag:s3], $0x200  }
0x14: {  	s6 =	sadd.s32 $0xFFFFFFFF, s6;
	[sflag:s3] =	ssyncset.done $0x0  }
.LBB2_2:
0x15: {  	p0 =	sne.s32 s6, $0x1;
	s6 =	sadd.s32 $0xFFFFFFFF, s6;
	[sflag:s3] =	ssyncadd.s32 $0xFFFFFE00  }
0x16: {  	[tilespmem:s4], [sflag:$0x1] =	stream.linear.gather [hbm4b:s2+s4], $0x200, $0x38;
	[tilespmem:$0x200] =	vst v63  }
0x17: {  	_ =	swait.ge [sflag:s3], $0x200  }
.Ltmp2:
0x18: {  	[sflag:s3] =	ssyncset.done $0x0;
	(pc) =	sbr.rel @p0 .LBB2_2-.Ltmp2, $4  }
0x19: {  	[sflag:s3] =	ssyncadd.s32 $0xFFFFFE00  }
0x1a: {  	[hbm4b:s5+s4] =	stream.linear.scatter [tilespmem:s4], [sflag:$0x1], $0x200, $0x38;
	[tilespmem:$0x200] =	vst v63  }
0x1b: {  	_ =	swait.ge [sflag:s3], $0x200  }
0x1c: {  	[sflag:s3] =	ssyncset.done $0x0  }
.LBB2_3:
0x1d: {  	[sflag:s3] =	ssyncadd.s32 $0xFFFFFE00  }
.LBB2_4:
0x1e: {  	_ =	sfence.sel $0x180000  }
0x1f: {  	[bflag:$0x0] =	sbarrier.arrive $0xFFFF  }
0x20: {  	p0 =	sne.s32 s0, $0x0;
	_ =	strace $0x90000047  }
0x21: {  	s0 =	sadd.s32 @!p0 $0x100000, s1;
	[bflag:$0x2] =	sbarrier.arrive $0xFFFF  }
0x22: {  	[sflag:s0] =	ssyncadd.tile.s32 @!p0 $0x1;
	_ =	shalt  }
.Lfunc_end2:
_tile_overlayer_lowered:
.L_overlay_start_2:
0x23: {  	(tag) =	ssettag $0x2  }
0x24: {  	s0 =	rddreg [dreg:$0x0];
	s2 =	stileid.u32  }
0x25: {  	s1 =	rddreg [dreg:$0x1];
	p0 =	sne.s32 s2, $0x0  }
0x26: {  	s3 =	rddreg [dreg:$0x2];
	[bflag:$0x3] =	sbarrier.arrive $0xFFFF;
	s2 =	simm.s32 @!p0 $0x1C01  }
0x27: {  	[timem:s3], [sflag:s2] =	dma.local @!p0 [hbm:s0], s1  }
0x28: {  	s0 =	simm.s32 @!p0 $0x1  }
0x29: {  	_ =	swait.ge @!p0 [sflag:s0], s1  }
0x2a: {  	s1 =	ssub.s32 @!p0 $0x0, s1;
	[sflag:s0] =	ssyncset.done @!p0 $0x0  }
0x2b: {  	[sflag:s0] =	ssyncadd.s32 @!p0 s1  }
0x2c: {  	[bflag:$0x3] =	sbarrier.arrive $0xFFFF  }
0x2d: {  	_ =	shalt  }

</sc_bundles>
